<compile_context>
chip_gen: v7x
topology: tpu7x:2x2x1
jax: 0.10.2.dev20260603
libtpu: 0.0.44.dev20260713+nightly
codegen_flags: <defaults>
</compile_context>

<pallas_src>
import functools

import jax
import jax.numpy as jnp
from jax import lax
from jax.experimental import pallas as pl
from jax.experimental.pallas import tpu as pltpu
from jax.experimental.pallas import tpu_sc as plsc

NUM_CODES = 8192
DIM = 32
ROWS = 512
N_POINTS = 8 * 32 * 32
HW = 1024
CHUNKS = HW // ROWS
GRID = N_POINTS // ROWS
LOSS_SCALE = 1.25 / (N_POINTS * DIM)

NW = 32
B_PER_W = N_POINTS // NW


def _vq_tc_body(x_ref, e_ref, idx_ref, loss_ref, esq_ref, iota_ref):
    i = pl.program_id(0)
    e = e_ref[...]

    @pl.when(i == 0)
    def _precompute():
        esq_ref[...] = jnp.sum(e * e, axis=1)[None, :]
        iota_ref[...] = lax.broadcasted_iota(jnp.int32, (1, NUM_CODES), 1)

    xb = x_ref[0].T
    xm2 = -2.0 * xb
    xsq = jnp.sum(xb * xb, axis=1, keepdims=True)
    mmn = lax.dot_general(xm2, e, (((1,), (1,)), ((), ())),
                          preferred_element_type=jnp.float32)
    d = (xsq + mmn) + esq_ref[...]
    rmin = jnp.min(d, axis=1, keepdims=True)
    masked = jnp.where(d == rmin, iota_ref[...], NUM_CODES)
    idx = jnp.min(masked, axis=1)
    idx_ref[0, 0, :] = idx

    @pl.when(i == 0)
    def _init():
        loss_ref[...] = jnp.zeros((1, 1), jnp.float32)

    loss_ref[...] += jnp.sum(rmin).reshape(1, 1)

    @pl.when(i == GRID - 1)
    def _finish():
        loss_ref[...] *= LOSS_SCALE


_sc_mesh = plsc.VectorSubcoreMesh(core_axis_name="c", subcore_axis_name="s")


@functools.partial(
    pl.kernel,
    mesh=_sc_mesh,
    out_type=jax.ShapeDtypeStruct((8, DIM, HW), jnp.float32),
    scratch_types=[
        pltpu.VMEM((B_PER_W,), jnp.int32),
        pltpu.VMEM((B_PER_W, DIM), jnp.float32),
        pltpu.VMEM((DIM, B_PER_W), jnp.float32),
        pltpu.SemaphoreType.DMA,
    ],
    compiler_params=pltpu.CompilerParams(use_tc_tiling_on_sc=False,
                                         needs_layout_passes=False),
)
def _vq_sc_gather(e_hbm, idx_hbm, out_hbm, idx_v, rows_v, t_v, sem):
    wid = lax.axis_index("s") * 2 + lax.axis_index("c")
    base = wid * B_PER_W
    b = base // HW
    pos0 = base % HW
    pltpu.sync_copy(idx_hbm.at[pl.ds(base, B_PER_W)], idx_v)
    pltpu.async_copy(e_hbm.at[idx_v], rows_v, sem).wait()

    lanes = lax.iota(jnp.int32, 16)

    @pl.loop(0, B_PER_W, step=4)
    def _transpose(p0):
        for dp in range(4):
            p = p0 + dp
            col = jnp.full((16,), 0, jnp.int32) + p
            for c0 in (0, 16):
                v = rows_v[p, pl.ds(c0, 16)]
                plsc.store_scatter(t_v, [c0 + lanes, col], v)

    pltpu.sync_copy(t_v, out_hbm.at[b, :, pl.ds(pos0, B_PER_W)])


def kernel(x, embeddings):
    B, C, H, W = x.shape
    x3 = x.reshape(B, C, HW)
    idx3, lossbuf = pl.pallas_call(
        _vq_tc_body,
        grid=(GRID,),
        in_specs=[
            pl.BlockSpec((1, C, ROWS), lambda i: (i // CHUNKS, 0, i % CHUNKS)),
            pl.BlockSpec((NUM_CODES, DIM), lambda i: (0, 0)),
        ],
        out_specs=[
            pl.BlockSpec((1, 1, ROWS), lambda i: (i, 0, 0)),
            pl.BlockSpec((1, 1), lambda i: (0, 0)),
        ],
        out_shape=[
            jax.ShapeDtypeStruct((GRID, 1, ROWS), jnp.int32),
            jax.ShapeDtypeStruct((1, 1), jnp.float32),
        ],
        scratch_shapes=[
            pltpu.VMEM((1, NUM_CODES), jnp.float32),
            pltpu.VMEM((1, NUM_CODES), jnp.int32),
        ],
    )(x3, embeddings)
    idx_flat = idx3.reshape(N_POINTS)
    q_bchw = _vq_sc_gather(embeddings, idx_flat)
    qst = q_bchw.reshape(B, C, H, W)
    idx = idx3.reshape(B, H, W)
    loss = lossbuf.reshape(())
    return (qst, loss, idx)

# --- scband reference (transcript-rebuilt; emitter-appended) ---
"""Pipeline reference for scband-vector-quantizer-49194555408575 (READ-ONLY COPY).

The authoritative reference and input builder live on the scoring server;
editing this copy changes nothing except your own understanding.
"""

import jax, jax.numpy as jnp
import numpy as np

NUM_EMBEDDINGS = 8192
EMBEDDING_DIM = 32
COMMITMENT_COST = 0.25

def setup_inputs(seed: int = 0) -> dict:
    key = jax.random.key(seed)
    k1, k2 = jax.random.split(key)
    x = jax.random.normal(k1, (8, 32, 32, 32), dtype=jnp.float32)
    embeddings = jax.random.uniform(
        k2, (NUM_EMBEDDINGS, EMBEDDING_DIM), dtype=jnp.float32,
        minval=-1.0 / NUM_EMBEDDINGS, maxval=1.0 / NUM_EMBEDDINGS)
    return {"x": x, "embeddings": embeddings}

def reference(x, embeddings):
    B, C, H, W = x.shape
    flat_x = jnp.transpose(x, (0, 2, 3, 1)).reshape(-1, C)
    distances = (jnp.sum(flat_x ** 2, axis=1, keepdims=True)
                 - 2.0 * flat_x @ embeddings.T
                 + jnp.sum(embeddings ** 2, axis=1))
    encoding_indices = jnp.argmin(distances, axis=1)
    encodings = jax.nn.one_hot(encoding_indices, NUM_EMBEDDINGS, dtype=flat_x.dtype)
    quantized = (encodings @ embeddings).reshape(B, H, W, C)
    quantized = jnp.transpose(quantized, (0, 3, 1, 2))
    e_latent_loss = jnp.mean((jax.lax.stop_gradient(quantized) - x) ** 2)
    q_latent_loss = jnp.mean((quantized - jax.lax.stop_gradient(x)) ** 2)
    loss = q_latent_loss + COMMITMENT_COST * e_latent_loss
    quantized_st = x + jax.lax.stop_gradient(quantized - x)
    return (quantized_st, loss, encoding_indices.reshape(B, H, W))

if __name__ == "__main__":
    import jax
    _d = setup_inputs()
    print(jax.jit(kernel)(*tuple(_d.values())))

</pallas_src>

<mosaic_0001>
#map = affine_map<(d0, d1) -> (0, 0)>
#map1 = affine_map<(d0, d1) -> (0)>
#map2 = affine_map<(d0, d1) -> (0, 0, 0)>
module attributes {stable_mosaic.version = 14 : i64} {
  func.func @_vq_sc_gather(%arg0: i32, %arg1: i32, %arg2: memref<8192x32xf32, #tpu.memory_space<hbm>>, %arg3: memref<8192xi32, #tpu.memory_space<hbm>>, %arg4: memref<8x32x1024xf32, #tpu.memory_space<hbm>>, %arg5: memref<256xi32, #tpu.memory_space<vmem>>, %arg6: memref<256x32xf32, #tpu.memory_space<vmem>>, %arg7: memref<32x256xf32, #tpu.memory_space<vmem>>, %arg8: memref<!tpu.dma_semaphore, #tpu.memory_space<semaphore_mem>>) attributes {dimension_semantics = [#tpu.dimension_semantics<core_parallel>, #tpu.dimension_semantics<subcore_parallel>], iteration_bounds = array<i64: 2, 16>, scalar_prefetch = 0 : i64, scratch_operands = 4 : i64, tpu.core_type = #tpu.core_type<sc_vector_subcore>, window_params = [{transform_indices = #map}, {transform_indices = #map1}, {transform_indices = #map2}]} {
    %mul3A = arith.constant 2 : i32
    %mul3A_0 = arith.muli %arg1, %mul3A : i32
    %add3A = arith.addi %mul3A_0, %arg0 : i32
    %mul3A_1 = arith.constant 256 : i32
    %mul3A_2 = arith.muli %add3A, %mul3A_1 : i32
    %jit3A = arith.constant 1024 : i32
    %div3A = arith.divsi %mul3A_2, %jit3A : i32
    %sign3A = arith.constant 0 : i32
    %sign3A_3 = arith.cmpi sgt, %mul3A_2, %sign3A : i32
    %sign3A_4 = arith.extui %sign3A_3 : i1 to i32
    %sign3A_5 = arith.constant 0 : i32
    %sign3A_6 = arith.cmpi slt, %mul3A_2, %sign3A_5 : i32
    %sign3A_7 = arith.extui %sign3A_6 : i1 to i32
    %sign3A_8 = arith.subi %sign3A_4, %sign3A_7 : i32
    %sign3A_9 = arith.constant 0 : i32
    %sign3A_10 = arith.cmpi sgt, %jit3A, %sign3A_9 : i32
    %sign3A_11 = arith.extui %sign3A_10 : i1 to i32
    %sign3A_12 = arith.constant 0 : i32
    %sign3A_13 = arith.cmpi slt, %jit3A, %sign3A_12 : i32
    %sign3A_14 = arith.extui %sign3A_13 : i1 to i32
    %sign3A_15 = arith.subi %sign3A_11, %sign3A_14 : i32
    %ne3A = arith.cmpi ne, %sign3A_8, %sign3A_15 : i32
    %rem3A = arith.remsi %mul3A_2, %jit3A : i32
    %ne3A_16 = arith.constant 0 : i32
    %ne3A_17 = arith.cmpi ne, %rem3A, %ne3A_16 : i32
    %and3A = arith.andi %ne3A, %ne3A_17 : i1
    %sub3A = arith.constant 1 : i32
    %sub3A_18 = arith.subi %div3A, %sub3A : i32
    %select_n3A = arith.select %and3A, %sub3A_18, %div3A : i32
    %jit3A_19 = arith.constant 1024 : i32
    %eq3A = arith.constant 0 : i32
    %eq3A_20 = arith.cmpi eq, %jit3A_19, %eq3A : i32
    %jit3A_21 = arith.constant 1 : i32
    %select_n3A_22 = arith.select %eq3A_20, %jit3A_21, %jit3A_19 : i32
    %rem3A_23 = arith.remsi %mul3A_2, %select_n3A_22 : i32
    %ne3A_24 = arith.constant 0 : i32
    %ne3A_25 = arith.cmpi ne, %rem3A_23, %ne3A_24 : i32
    %lt3A = arith.constant 0 : i32
    %lt3A_26 = arith.cmpi slt, %rem3A_23, %lt3A : i32
    %lt3A_27 = arith.constant 0 : i32
    %lt3A_28 = arith.cmpi slt, %select_n3A_22, %lt3A_27 : i32
    %ne3A_29 = arith.xori %lt3A_26, %lt3A_28 : i1
    %and3A_30 = arith.andi %ne3A_29, %ne3A_25 : i1
    %add3A_31 = arith.addi %rem3A_23, %select_n3A_22 : i32
    %select_n3A_32 = arith.select %and3A_30, %add3A_31, %rem3A_23 : i32
    "tpu.region"() ({
      %run_scoped3A = tpu.sem_alloc : memref<!tpu.dma_semaphore, #tpu.memory_space<semaphore_mem>>
      %dma_start3A_41 = tpu.memref_slice %arg3[%mul3A_2] : memref<8192xi32, #tpu.memory_space<hbm>> -> memref<256xi32, #tpu.memory_space<hbm>>
      %dma_start3A_42 = tpu.memref_slice %arg3[%mul3A_2] : memref<8192xi32, #tpu.memory_space<hbm>> -> memref<256xi32, #tpu.memory_space<hbm>>
      tpu.enqueue_dma source(%dma_start3A_42 : memref<256xi32, #tpu.memory_space<hbm>>) target(%arg5 : memref<256xi32, #tpu.memory_space<vmem>>) target_semaphore(%run_scoped3A : memref<!tpu.dma_semaphore, #tpu.memory_space<semaphore_mem>>)
      %dma_wait3A_43 = tpu.memref_slice %arg3[%mul3A_2] : memref<8192xi32, #tpu.memory_space<hbm>> -> memref<256xi32, #tpu.memory_space<hbm>>
      %dma_wait3A_44 = tpu.memref_slice %arg3[%mul3A_2] : memref<8192xi32, #tpu.memory_space<hbm>> -> memref<256xi32, #tpu.memory_space<hbm>>
      tpu.wait_dma2 semaphore(%run_scoped3A : memref<!tpu.dma_semaphore, #tpu.memory_space<semaphore_mem>>) src(%dma_wait3A_44 : memref<256xi32, #tpu.memory_space<hbm>>) dst(%arg5 : memref<256xi32, #tpu.memory_space<vmem>>)
      tpu.yield
    }) : () -> ()
    %dma_start3A = arith.constant 0 : i32
    %dma_start3A_33 = arith.constant 0 : i32
    %dma_start3A_34 = tpu.memref_slice %arg2[%dma_start3A, %dma_start3A_33] : memref<8192x32xf32, #tpu.memory_space<hbm>> -> memref<8192x32xf32, #tpu.memory_space<hbm>>
    tpu.enqueue_indirect_dma source(%dma_start3A_34 : memref<8192x32xf32, #tpu.memory_space<hbm>>) target(%arg6 : memref<256x32xf32, #tpu.memory_space<vmem>>) offsets(%arg5 : memref<256xi32, #tpu.memory_space<vmem>>) semaphore(%arg8 : memref<!tpu.dma_semaphore, #tpu.memory_space<semaphore_mem>>)
    %dma_wait3A = arith.constant 0 : i32
    %dma_wait3A_35 = arith.constant 0 : i32
    %dma_wait3A_36 = tpu.memref_slice %arg2[%dma_wait3A, %dma_wait3A_35] : memref<8192x32xf32, #tpu.memory_space<hbm>> -> memref<8192x32xf32, #tpu.memory_space<hbm>>
    tpu.wait_indirect_dma semaphore(%arg8 : memref<!tpu.dma_semaphore, #tpu.memory_space<semaphore_mem>>) src(%dma_wait3A_36 : memref<8192x32xf32, #tpu.memory_space<hbm>>) dst(%arg6 : memref<256x32xf32, #tpu.memory_space<vmem>>)
    %iota3A = tpu.iota {dimensions = array<i32: 0>} : vector<16xi32>
    %scan3A = arith.constant 0 : i32
    %scan3A_37 = arith.constant 64 : i32
    %scan3A_38 = arith.addi %scan3A, %scan3A_37 : i32
    %scan3A_39 = arith.constant 1 : i32
    scf.for %scan3A_41 = %scan3A to %scan3A_38 step %scan3A_39  : i32 {
      %mul3A_42 = arith.constant 4 : i32
      %mul3A_43 = arith.muli %scan3A_41, %mul3A_42 : i32
      %add3A_44 = arith.constant 0 : i32
      %add3A_45 = arith.addi %add3A_44, %mul3A_43 : i32
      %add3A_46 = arith.constant 0 : i32
      %add3A_47 = arith.addi %add3A_45, %add3A_46 : i32
      %broadcast_in_dim3A = arith.constant 0 : i32
      %broadcast_in_dim3A_48 = vector.broadcast %broadcast_in_dim3A : i32 to vector<16xi32>
      %add3A_49 = vector.broadcast %add3A_47 : i32 to vector<16xi32>
      %add3A_50 = arith.addi %broadcast_in_dim3A_48, %add3A_49 : vector<16xi32>
      %get3A = arith.index_cast %add3A_47 : i32 to index
      %get3A_51 = arith.constant 0 : index
      %get3A_52 = tpu.vector_load %arg6[%get3A, %get3A_51] {strides = array<i32>} : memref<256x32xf32, #tpu.memory_space<vmem>>, vector<16xf32>,
      %add3A_53 = arith.constant 0 : i32
      %add3A_54 = vector.broadcast %add3A_53 : i32 to vector<16xi32>
      %add3A_55 = arith.addi %add3A_54, %iota3A : vector<16xi32>
      tpu.vector_store_idx %arg7[%add3A_55, %add3A_50], %get3A_52 : memref<32x256xf32, #tpu.memory_space<vmem>>[vector<16xi32>, vector<16xi32>], vector<16xf32>,
      %get3A_56 = arith.index_cast %add3A_47 : i32 to index
      %get3A_57 = arith.constant 16 : index
      %get3A_58 = tpu.vector_load %arg6[%get3A_56, %get3A_57] {strides = array<i32>} : memref<256x32xf32, #tpu.memory_space<vmem>>, vector<16xf32>,
      %add3A_59 = arith.constant 16 : i32
      %add3A_60 = vector.broadcast %add3A_59 : i32 to vector<16xi32>
      %add3A_61 = arith.addi %add3A_60, %iota3A : vector<16xi32>
      tpu.vector_store_idx %arg7[%add3A_61, %add3A_50], %get3A_58 : memref<32x256xf32, #tpu.memory_space<vmem>>[vector<16xi32>, vector<16xi32>], vector<16xf32>,
      %add3A_62 = arith.constant 1 : i32
      %add3A_63 = arith.addi %add3A_45, %add3A_62 : i32
      %broadcast_in_dim3A_64 = arith.constant 0 : i32
      %broadcast_in_dim3A_65 = vector.broadcast %broadcast_in_dim3A_64 : i32 to vector<16xi32>
      %add3A_66 = vector.broadcast %add3A_63 : i32 to vector<16xi32>
      %add3A_67 = arith.addi %broadcast_in_dim3A_65, %add3A_66 : vector<16xi32>
      %get3A_68 = arith.index_cast %add3A_63 : i32 to index
      %get3A_69 = arith.constant 0 : index
      %get3A_70 = tpu.vector_load %arg6[%get3A_68, %get3A_69] {strides = array<i32>} : memref<256x32xf32, #tpu.memory_space<vmem>>, vector<16xf32>,
      %add3A_71 = arith.constant 0 : i32
      %add3A_72 = vector.broadcast %add3A_71 : i32 to vector<16xi32>
      %add3A_73 = arith.addi %add3A_72, %iota3A : vector<16xi32>
      tpu.vector_store_idx %arg7[%add3A_73, %add3A_67], %get3A_70 : memref<32x256xf32, #tpu.memory_space<vmem>>[vector<16xi32>, vector<16xi32>], vector<16xf32>,
      %get3A_74 = arith.index_cast %add3A_63 : i32 to index
      %get3A_75 = arith.constant 16 : index
      %get3A_76 = tpu.vector_load %arg6[%get3A_74, %get3A_75] {strides = array<i32>} : memref<256x32xf32, #tpu.memory_space<vmem>>, vector<16xf32>,
      %add3A_77 = arith.constant 16 : i32
      %add3A_78 = vector.broadcast %add3A_77 : i32 to vector<16xi32>
      %add3A_79 = arith.addi %add3A_78, %iota3A : vector<16xi32>
      tpu.vector_store_idx %arg7[%add3A_79, %add3A_67], %get3A_76 : memref<32x256xf32, #tpu.memory_space<vmem>>[vector<16xi32>, vector<16xi32>], vector<16xf32>,
      %add3A_80 = arith.constant 2 : i32
      %add3A_81 = arith.addi %add3A_45, %add3A_80 : i32
      %broadcast_in_dim3A_82 = arith.constant 0 : i32
      %broadcast_in_dim3A_83 = vector.broadcast %broadcast_in_dim3A_82 : i32 to vector<16xi32>
      %add3A_84 = vector.broadcast %add3A_81 : i32 to vector<16xi32>
      %add3A_85 = arith.addi %broadcast_in_dim3A_83, %add3A_84 : vector<16xi32>
      %get3A_86 = arith.index_cast %add3A_81 : i32 to index
      %get3A_87 = arith.constant 0 : index
      %get3A_88 = tpu.vector_load %arg6[%get3A_86, %get3A_87] {strides = array<i32>} : memref<256x32xf32, #tpu.memory_space<vmem>>, vector<16xf32>,
      %add3A_89 = arith.constant 0 : i32
      %add3A_90 = vector.broadcast %add3A_89 : i32 to vector<16xi32>
      %add3A_91 = arith.addi %add3A_90, %iota3A : vector<16xi32>
      tpu.vector_store_idx %arg7[%add3A_91, %add3A_85], %get3A_88 : memref<32x256xf32, #tpu.memory_space<vmem>>[vector<16xi32>, vector<16xi32>], vector<16xf32>,
      %get3A_92 = arith.index_cast %add3A_81 : i32 to index
      %get3A_93 = arith.constant 16 : index
      %get3A_94 = tpu.vector_load %arg6[%get3A_92, %get3A_93] {strides = array<i32>} : memref<256x32xf32, #tpu.memory_space<vmem>>, vector<16xf32>,
      %add3A_95 = arith.constant 16 : i32
      %add3A_96 = vector.broadcast %add3A_95 : i32 to vector<16xi32>
      %add3A_97 = arith.addi %add3A_96, %iota3A : vector<16xi32>
      tpu.vector_store_idx %arg7[%add3A_97, %add3A_85], %get3A_94 : memref<32x256xf32, #tpu.memory_space<vmem>>[vector<16xi32>, vector<16xi32>], vector<16xf32>,
      %add3A_98 = arith.constant 3 : i32
      %add3A_99 = arith.addi %add3A_45, %add3A_98 : i32
      %broadcast_in_dim3A_100 = arith.constant 0 : i32
      %broadcast_in_dim3A_101 = vector.broadcast %broadcast_in_dim3A_100 : i32 to vector<16xi32>
      %add3A_102 = vector.broadcast %add3A_99 : i32 to vector<16xi32>
      %add3A_103 = arith.addi %broadcast_in_dim3A_101, %add3A_102 : vector<16xi32>
      %get3A_104 = arith.index_cast %add3A_99 : i32 to index
      %get3A_105 = arith.constant 0 : index
      %get3A_106 = tpu.vector_load %arg6[%get3A_104, %get3A_105] {strides = array<i32>} : memref<256x32xf32, #tpu.memory_space<vmem>>, vector<16xf32>,
      %add3A_107 = arith.constant 0 : i32
      %add3A_108 = vector.broadcast %add3A_107 : i32 to vector<16xi32>
      %add3A_109 = arith.addi %add3A_108, %iota3A : vector<16xi32>
      tpu.vector_store_idx %arg7[%add3A_109, %add3A_103], %get3A_106 : memref<32x256xf32, #tpu.memory_space<vmem>>[vector<16xi32>, vector<16xi32>], vector<16xf32>,
      %get3A_110 = arith.index_cast %add3A_99 : i32 to index
      %get3A_111 = arith.constant 16 : index
      %get3A_112 = tpu.vector_load %arg6[%get3A_110, %get3A_111] {strides = array<i32>} : memref<256x32xf32, #tpu.memory_space<vmem>>, vector<16xf32>,
      %add3A_113 = arith.constant 16 : i32
      %add3A_114 = vector.broadcast %add3A_113 : i32 to vector<16xi32>
      %add3A_115 = arith.addi %add3A_114, %iota3A : vector<16xi32>
      tpu.vector_store_idx %arg7[%add3A_115, %add3A_103], %get3A_112 : memref<32x256xf32, #tpu.memory_space<vmem>>[vector<16xi32>, vector<16xi32>], vector<16xf32>,
    }
    %scan3A_40 = arith.constant 64 : i32
    "tpu.region"() ({
      %run_scoped3A = tpu.sem_alloc : memref<!tpu.dma_semaphore, #tpu.memory_space<semaphore_mem>>
      %dma_start3A_41 = arith.constant 0 : i32
      %dma_start3A_42 = tpu.memref_slice %arg4[%select_n3A, %dma_start3A_41, %select_n3A_32] : memref<8x32x1024xf32, #tpu.memory_space<hbm>> -> memref<1x32x256xf32, #tpu.memory_space<hbm>>
      %dma_start3A_43 = tpu.memref_squeeze %dma_start3A_42 : memref<1x32x256xf32, #tpu.memory_space<hbm>> -> memref<32x256xf32, #tpu.memory_space<hbm>>
      %dma_start3A_44 = arith.constant 0 : i32
      %dma_start3A_45 = tpu.memref_slice %arg4[%select_n3A, %dma_start3A_44, %select_n3A_32] : memref<8x32x1024xf32, #tpu.memory_space<hbm>> -> memref<1x32x256xf32, #tpu.memory_space<hbm>>
      %dma_start3A_46 = tpu.memref_squeeze %dma_start3A_45 : memref<1x32x256xf32, #tpu.memory_space<hbm>> -> memref<32x256xf32, #tpu.memory_space<hbm>>
      tpu.enqueue_dma source(%arg7 : memref<32x256xf32, #tpu.memory_space<vmem>>) target(%dma_start3A_46 : memref<32x256xf32, #tpu.memory_space<hbm>>) target_semaphore(%run_scoped3A : memref<!tpu.dma_semaphore, #tpu.memory_space<semaphore_mem>>)
      %dma_wait3A_47 = arith.constant 0 : i32
      %dma_wait3A_48 = tpu.memref_slice %arg4[%select_n3A, %dma_wait3A_47, %select_n3A_32] : memref<8x32x1024xf32, #tpu.memory_space<hbm>> -> memref<1x32x256xf32, #tpu.memory_space<hbm>>
      %dma_wait3A_49 = tpu.memref_squeeze %dma_wait3A_48 : memref<1x32x256xf32, #tpu.memory_space<hbm>> -> memref<32x256xf32, #tpu.memory_space<hbm>>
      %dma_wait3A_50 = arith.constant 0 : i32
      %dma_wait3A_51 = tpu.memref_slice %arg4[%select_n3A, %dma_wait3A_50, %select_n3A_32] : memref<8x32x1024xf32, #tpu.memory_space<hbm>> -> memref<1x32x256xf32, #tpu.memory_space<hbm>>
      %dma_wait3A_52 = tpu.memref_squeeze %dma_wait3A_51 : memref<1x32x256xf32, #tpu.memory_space<hbm>> -> memref<32x256xf32, #tpu.memory_space<hbm>>
      tpu.wait_dma2 semaphore(%run_scoped3A : memref<!tpu.dma_semaphore, #tpu.memory_space<semaphore_mem>>) src(%arg7 : memref<32x256xf32, #tpu.memory_space<vmem>>) dst(%dma_wait3A_52 : memref<32x256xf32, #tpu.memory_space<hbm>>)
      tpu.yield
    }) : () -> ()
    return
  }
}

module attributes {stable_mosaic.version = 14 : i64} {
  func.func @_vq_tc_body(%arg0: i32, %arg1: memref<1x32x512xf32, #tpu.memory_space<vmem>>, %arg2: memref<8192x32xf32, #tpu.memory_space<vmem>>, %arg3: memref<1x1x512xi32, #tpu.memory_space<vmem>>, %arg4: memref<1x1xf32, #tpu.memory_space<vmem>>, %arg5: memref<1x8192xf32, #tpu.memory_space<vmem>>, %arg6: memref<1x8192xi32, #tpu.memory_space<vmem>>) attributes {dimension_semantics = [#tpu.dimension_semantics<arbitrary>], iteration_bounds = array<i64: 16>, scalar_prefetch = 0 : i64, scratch_operands = 2 : i64, tpu.core_type = #tpu.core_type<tc>, window_params = [{transform_indices = @transform_0, window_bounds = array<i64: 1, 32, 512>}, {pipeline_mode = #tpu.pipeline_mode<synchronous>, transform_indices = @transform_1, window_bounds = array<i64: 8192, 32>}, {transform_indices = @transform_2, window_bounds = array<i64: 1, 1, 512>}, {pipeline_mode = #tpu.pipeline_mode<synchronous>, transform_indices = @transform_3, window_bounds = array<i64: 1, 1>}]} {
    %get3A = arith.constant 0 : index
    %get3A_0 = arith.constant 0 : index
    %get3A_1 = vector.load %arg2[%get3A, %get3A_0] : memref<8192x32xf32, #tpu.memory_space<vmem>>, vector<8192x32xf32>
    %eq3A = arith.constant 0 : i32
    %eq3A_2 = arith.cmpi eq, %arg0, %eq3A : i32
    %convert_element_type3A = arith.extui %eq3A_2 : i1 to i32
    %cond3A = arith.constant 0 : i32
    %cond3A_3 = arith.cmpi ne, %convert_element_type3A, %cond3A : i32
    scf.if %cond3A_3 {
      %mul3A_59 = arith.mulf %get3A_1, %get3A_1 : vector<8192x32xf32>
      %reduce_sum3A_60 = arith.constant dense<0.000000e+00> : vector<8192xf32>
      %reduce_sum3A_61 = vector.multi_reduction <add>, %mul3A_59, %reduce_sum3A_60 [1] : vector<8192x32xf32> to vector<8192xf32>
      %broadcast_in_dim3A_62 = vector.shape_cast %reduce_sum3A_61 : vector<8192xf32> to vector<1x8192xf32>
      %swap3A_63 = arith.constant 0 : index
      %swap3A_64 = arith.constant 0 : index
      %swap3A_65 = vector.load %arg5[%swap3A_63, %swap3A_64] : memref<1x8192xf32, #tpu.memory_space<vmem>>, vector<1x8192xf32>
      tpu.vector_store %arg5[%swap3A_63, %swap3A_64], %broadcast_in_dim3A_62 {strides = array<i32>} : memref<1x8192xf32, #tpu.memory_space<vmem>>, vector<1x8192xf32>,
      %iota3A = tpu.iota {dimensions = array<i32: 1>} : vector<1x8192xi32>
      %swap3A_66 = arith.constant 0 : index
      %swap3A_67 = arith.constant 0 : index
      %swap3A_68 = vector.load %arg6[%swap3A_66, %swap3A_67] : memref<1x8192xi32, #tpu.memory_space<vmem>>, vector<1x8192xi32>
      tpu.vector_store %arg6[%swap3A_66, %swap3A_67], %iota3A {strides = array<i32>} : memref<1x8192xi32, #tpu.memory_space<vmem>>, vector<1x8192xi32>,
    } else {
    }
    %get3A_4 = arith.constant 0 : index
    %get3A_5 = arith.constant 0 : index
    %get3A_6 = arith.constant 0 : index
    %get3A_7 = vector.load %arg1[%get3A_4, %get3A_5, %get3A_6] : memref<1x32x512xf32, #tpu.memory_space<vmem>>, vector<1x32x512xf32>
    %get3A_8 = vector.shape_cast %get3A_7 : vector<1x32x512xf32> to vector<32x512xf32>
    %transpose3A = tpu.transpose %get3A_8, [1, 0] : vector<32x512xf32> -> vector<512x32xf32>
    %mul3A = arith.constant -2.000000e+00 : f32
    %mul3A_9 = vector.broadcast %mul3A : f32 to vector<512x32xf32>
    %mul3A_10 = arith.mulf %mul3A_9, %transpose3A : vector<512x32xf32>
    %mul3A_11 = arith.mulf %transpose3A, %transpose3A : vector<512x32xf32>
    %reduce_sum3A = arith.constant dense<0.000000e+00> : vector<512xf32>
    %reduce_sum3A_12 = vector.multi_reduction <add>, %mul3A_11, %reduce_sum3A [1] : vector<512x32xf32> to vector<512xf32>
    %broadcast_in_dim3A = vector.shape_cast %reduce_sum3A_12 : vector<512xf32> to vector<512x1xf32>
    %dot_general3A = arith.constant dense<0.000000e+00> : vector<512x8192xf32>
    %dot_general3A_13 = tpu.matmul %mul3A_10, %get3A_1, %dot_general3A {dimension_numbers = #tpu.dot_dimension_numbers<[1], [1], [0], [0], [0, 0, 1, 0], [], []>, transpose_lhs_hint = false} : vector<512x32xf32>, vector<8192x32xf32>, vector<512x8192xf32> -> vector<512x8192xf32>
    %add3A = vector.broadcast %broadcast_in_dim3A : vector<512x1xf32> to vector<512x8192xf32>
    %add3A_14 = arith.addf %add3A, %dot_general3A_13 : vector<512x8192xf32>
    %get3A_15 = arith.constant 0 : index
    %get3A_16 = arith.constant 0 : index
    %get3A_17 = vector.load %arg5[%get3A_15, %get3A_16] : memref<1x8192xf32, #tpu.memory_space<vmem>>, vector<1x8192xf32>
    %add3A_18 = vector.broadcast %get3A_17 : vector<1x8192xf32> to vector<512x8192xf32>
    %add3A_19 = arith.addf %add3A_14, %add3A_18 : vector<512x8192xf32>
    %reduce_min3A = arith.constant dense<0x7F800000> : vector<512xf32>
    %reduce_min3A_20 = vector.multi_reduction <minimumf>, %add3A_19, %reduce_min3A [1] : vector<512x8192xf32> to vector<512xf32>
    %broadcast_in_dim3A_21 = vector.shape_cast %reduce_min3A_20 : vector<512xf32> to vector<512x1xf32>
    %eq3A_22 = vector.broadcast %broadcast_in_dim3A_21 : vector<512x1xf32> to vector<512x8192xf32>
    %eq3A_23 = arith.cmpf oeq, %add3A_19, %eq3A_22 : vector<512x8192xf32>
    %get3A_24 = arith.constant 0 : index
    %get3A_25 = arith.constant 0 : index
    %get3A_26 = vector.load %arg6[%get3A_24, %get3A_25] : memref<1x8192xi32, #tpu.memory_space<vmem>>, vector<1x8192xi32>
    %jit3A = arith.constant 8192 : i32
    %broadcast_in_dim3A_27 = vector.shape_cast %get3A_26 : vector<1x8192xi32> to vector<1x8192xi32>
    %broadcast_in_dim3A_28 = vector.broadcast %broadcast_in_dim3A_27 : vector<1x8192xi32> to vector<512x8192xi32>
    %broadcast_in_dim3A_29 = vector.broadcast %jit3A : i32 to vector<512x8192xi32>
    %select_n3A = arith.select %eq3A_23, %broadcast_in_dim3A_28, %broadcast_in_dim3A_29 : vector<512x8192xi1>, vector<512x8192xi32>
    %reduce_min3A_30 = arith.constant dense<2147483647> : vector<512xi32>
    %reduce_min3A_31 = vector.multi_reduction <minsi>, %select_n3A, %reduce_min3A_30 [1] : vector<512x8192xi32> to vector<512xi32>
    %swap3A = arith.constant 0 : index
    %swap3A_32 = arith.constant 0 : index
    %swap3A_33 = arith.constant 0 : index
    %swap3A_34 = vector.load %arg3[%swap3A, %swap3A_32, %swap3A_33] : memref<1x1x512xi32, #tpu.memory_space<vmem>>, vector<1x1x512xi32>
    %swap3A_35 = vector.shape_cast %swap3A_34 : vector<1x1x512xi32> to vector<512xi32>
    %swap3A_36 = vector.shape_cast %reduce_min3A_31 : vector<512xi32> to vector<1x1x512xi32>
    tpu.vector_store %arg3[%swap3A, %swap3A_32, %swap3A_33], %swap3A_36 {strides = array<i32>} : memref<1x1x512xi32, #tpu.memory_space<vmem>>, vector<1x1x512xi32>,
    %eq3A_37 = arith.constant 0 : i32
    %eq3A_38 = arith.cmpi eq, %arg0, %eq3A_37 : i32
    %convert_element_type3A_39 = arith.extui %eq3A_38 : i1 to i32
    %cond3A_40 = arith.constant 0 : i32
    %cond3A_41 = arith.cmpi ne, %convert_element_type3A_39, %cond3A_40 : i32
    scf.if %cond3A_41 {
      %broadcast_in_dim3A_59 = arith.constant 0.000000e+00 : f32
      %broadcast_in_dim3A_60 = vector.broadcast %broadcast_in_dim3A_59 : f32 to vector<1x1xf32>
      %swap3A_61 = arith.constant 0 : index
      %swap3A_62 = arith.constant 0 : index
      %swap3A_63 = vector.load %arg4[%swap3A_61, %swap3A_62] : memref<1x1xf32, #tpu.memory_space<vmem>>, vector<1x1xf32>
      tpu.vector_store %arg4[%swap3A_61, %swap3A_62], %broadcast_in_dim3A_60 {strides = array<i32>} : memref<1x1xf32, #tpu.memory_space<vmem>>, vector<1x1xf32>,
    } else {
    }
    %get3A_42 = arith.constant 0 : index
    %get3A_43 = arith.constant 0 : index
    %get3A_44 = vector.load %arg4[%get3A_42, %get3A_43] : memref<1x1xf32, #tpu.memory_space<vmem>>, vector<1x1xf32>
    %reduce_sum3A_45 = vector.shape_cast %broadcast_in_dim3A_21 : vector<512x1xf32> to vector<1x512x1xf32>
    %reduce_sum3A_46 = arith.constant dense<0.000000e+00> : vector<1xf32>
    %reduce_sum3A_47 = vector.multi_reduction <add>, %reduce_sum3A_45, %reduce_sum3A_46 [1, 2] : vector<1x512x1xf32> to vector<1xf32>
    %reduce_sum3A_48 = vector.shape_cast %reduce_sum3A_47 : vector<1xf32> to vector<1x1x1xf32>
    %reduce_sum3A_49 = vector.extract %reduce_sum3A_48[0, 0, 0] : f32 from vector<1x1x1xf32>
    %reshape3A = vector.broadcast %reduce_sum3A_49 : f32 to vector<1x1xf32>
    %add3A_50 = arith.addf %get3A_44, %reshape3A : vector<1x1xf32>
    %swap3A_51 = arith.constant 0 : index
    %swap3A_52 = arith.constant 0 : index
    %swap3A_53 = vector.load %arg4[%swap3A_51, %swap3A_52] : memref<1x1xf32, #tpu.memory_space<vmem>>, vector<1x1xf32>
    tpu.vector_store %arg4[%swap3A_51, %swap3A_52], %add3A_50 {strides = array<i32>} : memref<1x1xf32, #tpu.memory_space<vmem>>, vector<1x1xf32>,
    %eq3A_54 = arith.constant 15 : i32
    %eq3A_55 = arith.cmpi eq, %arg0, %eq3A_54 : i32
    %convert_element_type3A_56 = arith.extui %eq3A_55 : i1 to i32
    %cond3A_57 = arith.constant 0 : i32
    %cond3A_58 = arith.cmpi ne, %convert_element_type3A_56, %cond3A_57 : i32
    scf.if %cond3A_58 {
      %get3A_59 = arith.constant 0 : index
      %get3A_60 = arith.constant 0 : index
      %get3A_61 = vector.load %arg4[%get3A_59, %get3A_60] : memref<1x1xf32, #tpu.memory_space<vmem>>, vector<1x1xf32>
      %mul3A_62 = arith.constant 4.76837158E-6 : f32
      %mul3A_63 = vector.broadcast %mul3A_62 : f32 to vector<1x1xf32>
      %mul3A_64 = arith.mulf %get3A_61, %mul3A_63 : vector<1x1xf32>
      %swap3A_65 = arith.constant 0 : index
      %swap3A_66 = arith.constant 0 : index
      %swap3A_67 = vector.load %arg4[%swap3A_65, %swap3A_66] : memref<1x1xf32, #tpu.memory_space<vmem>>, vector<1x1xf32>
      tpu.vector_store %arg4[%swap3A_65, %swap3A_66], %mul3A_64 {strides = array<i32>} : memref<1x1xf32, #tpu.memory_space<vmem>>, vector<1x1xf32>,
    } else {
    }
    return
  }
  func.func @transform_0(%arg0: i32) -> (i32, i32, i32) {
    %jit3A = arith.constant 2 : i32
    %div3A = arith.divsi %arg0, %jit3A : i32
    %sign3A = arith.constant 0 : i32
    %sign3A_0 = arith.cmpi sgt, %arg0, %sign3A : i32
    %sign3A_1 = arith.extui %sign3A_0 : i1 to i32
    %sign3A_2 = arith.constant 0 : i32
    %sign3A_3 = arith.cmpi slt, %arg0, %sign3A_2 : i32
    %sign3A_4 = arith.extui %sign3A_3 : i1 to i32
    %sign3A_5 = arith.subi %sign3A_1, %sign3A_4 : i32
    %sign3A_6 = arith.constant 0 : i32
    %sign3A_7 = arith.cmpi sgt, %jit3A, %sign3A_6 : i32
    %sign3A_8 = arith.extui %sign3A_7 : i1 to i32
    %sign3A_9 = arith.constant 0 : i32
    %sign3A_10 = arith.cmpi slt, %jit3A, %sign3A_9 : i32
    %sign3A_11 = arith.extui %sign3A_10 : i1 to i32
    %sign3A_12 = arith.subi %sign3A_8, %sign3A_11 : i32
    %ne3A = arith.cmpi ne, %sign3A_5, %sign3A_12 : i32
    %rem3A = arith.remsi %arg0, %jit3A : i32
    %ne3A_13 = arith.constant 0 : i32
    %ne3A_14 = arith.cmpi ne, %rem3A, %ne3A_13 : i32
    %and3A = arith.andi %ne3A, %ne3A_14 : i1
    %sub3A = arith.constant 1 : i32
    %sub3A_15 = arith.subi %div3A, %sub3A : i32
    %select_n3A = arith.select %and3A, %sub3A_15, %div3A : i32
    %jit3A_16 = arith.constant 2 : i32
    %eq3A = arith.constant 0 : i32
    %eq3A_17 = arith.cmpi eq, %jit3A_16, %eq3A : i32
    %jit3A_18 = arith.constant 1 : i32
    %select_n3A_19 = arith.select %eq3A_17, %jit3A_18, %jit3A_16 : i32
    %rem3A_20 = arith.remsi %arg0, %select_n3A_19 : i32
    %ne3A_21 = arith.constant 0 : i32
    %ne3A_22 = arith.cmpi ne, %rem3A_20, %ne3A_21 : i32
    %lt3A = arith.constant 0 : i32
    %lt3A_23 = arith.cmpi slt, %rem3A_20, %lt3A : i32
    %lt3A_24 = arith.constant 0 : i32
    %lt3A_25 = arith.cmpi slt, %select_n3A_19, %lt3A_24 : i32
    %ne3A_26 = arith.xori %lt3A_23, %lt3A_25 : i1
    %and3A_27 = arith.andi %ne3A_26, %ne3A_22 : i1
    %add3A = arith.addi %rem3A_20, %select_n3A_19 : i32
    %select_n3A_28 = arith.select %and3A_27, %add3A, %rem3A_20 : i32
    %c0_i32 = arith.constant 0 : i32
    %c0_i32_29 = arith.constant 0 : i32
    return %select_n3A, %c0_i32, %select_n3A_28 : i32, i32, i32
  }
  func.func @transform_1(%arg0: i32) -> (i32, i32) {
    %c0_i32 = arith.constant 0 : i32
    %c0_i32_0 = arith.constant 0 : i32
    %c0_i32_1 = arith.constant 0 : i32
    return %c0_i32, %c0_i32_0 : i32, i32
  }
  func.func @transform_2(%arg0: i32) -> (i32, i32, i32) {
    %c0_i32 = arith.constant 0 : i32
    %c0_i32_0 = arith.constant 0 : i32
    %c0_i32_1 = arith.constant 0 : i32
    return %arg0, %c0_i32, %c0_i32_0 : i32, i32, i32
  }
  func.func @transform_3(%arg0: i32) -> (i32, i32) {
    %c0_i32 = arith.constant 0 : i32
    %c0_i32_0 = arith.constant 0 : i32
    %c0_i32_1 = arith.constant 0 : i32
    return %c0_i32, %c0_i32_0 : i32, i32
  }
}

</mosaic_0001>

<sc_bundles>
// kernel: kernel.4.cloned.1.call-start
scs
__scs_entry_jumppad:
0x0: {  	(pc) =	sbr.rel $0x88, $3  }
0x1: {  	(tag) =	ssettag $0x0;
	lr =	simm.s32 $0x1  }
0x2: {  	[smem:$0x3F9F] =	sst lr;
	_ =	strace $0xD0000000  }
0x3: {  	_ = 	snop  }
0x4: {  	_ = 	snop  }
0x5: {  	_ = 	snop  }
0x6: {  	_ = 	snop  }
0x7: {  	_ = 	snop  }
__scs_overlays_trampoline_lowered:
0x8: {  	[smem:$0x3FAE] =	sst s0  }
0x9: {  	[smem:$0x3FAF] =	sst s1  }
0xa: {  	[smem:$0x3FB0] =	sst s2  }
0xb: {  	[smem:$0x3FB1] =	sst s3  }
0xc: {  	[smem:$0x3FB2] =	sst s4  }
0xd: {  	[smem:$0x3FB3] =	sst s5  }
0xe: {  	[smem:$0x3FB4] =	sst s6  }
0xf: {  	[smem:$0x3FB5] =	sst s7  }
0x10: {  	[smem:$0x3FB6] =	sst s8  }
0x11: {  	[smem:$0x3FB7] =	sst s9;
	s0 =	simm.s32 @!p0 $0x0  }
0x12: {  	s1 =	sld [smem:$0x3F9D];
	s0 =	simm.s32 @p0 $0x1  }
0x13: {  	[smem:$0x3FB8] =	sst s0;
	s0 =	simm.s32 @!p1 $0x0  }
0x14: {  	s2 =	sld [smem:$0x3F9C];
	s0 =	simm.s32 @p1 $0x1  }
0x15: {  	[smem:$0x3FB9] =	sst s0;
	s0 =	simm.s32 @!p2 $0x0  }
0x16: {  	s3 =	sld [smem:$0x3FDB];
	s0 =	simm.s32 @p2 $0x1  }
0x17: {  	s4 =	simm.s32 $0x1BF5;
	[smem:$0x3FBB] =	sst s0  }
0x18: {  	s0 =	sld [smem:$0x3F9E];
	_ =	swait.ge [sflag:s4], $0x0  }
0x19: {  	s7 =	sld [smem:$0x3F9F]  }
0x1a: {  	s8 =	sadd.s32 $0xFFFFE003, lr  }
0x1b: {  	s9 =	sadd.s32 $0xFFFFFEF7, lr;
	s5 =	simm.s32 $0xFFFFFFFF;
	p2 =	slt.u32 s8, $0xFFFFF086  }
0x1c: {  	p1 =	slt.u32 s9, $0xF7A;
	s5 =	simm.s32 @!p2 $0x0  }
0x1d: {  	s5 =	simm.s32 @p1 $0x1;
	p0 =	seq.s32 s7, s2  }
0x1e: {  	s7 =	smul.u32 @!p0 $0xF7A, s2;
	p2 =	seq.s32 @!p0 s5, $0x0  }
0x1f: {  	s9 =	smul.u32 $0xF7A, s1;
	s8 =	simm.s32 @!p0 $0x1BF5;
	p2 =	por !p2, p0  }
0x20: {  	[sflag:s8] =	ssyncset.s32 @!p0 $0xFFFFF086;
	s6 =	sadd.s32 @!p0 s3, s7;
	s7 =	simm.s32 @!p0 $0x108  }
0x21: {  	s3 =	sadd.s32 s3, s9;
	s6 =	sadd.s32 @!p0 $0x88, s6;
	s7 =	simm.s32 @p2 $0x1082  }
0x22: {  	[simem:s7], [sflag:s8] =	dma.local @!p0 [hbm:s6], $0xF7A  }
0x23: {  	s9 =	sor.u32 $0xD0000000, s2;
	s6 =	simm.s32 $0x108;
	_ =	swait.ge @!p0 [sflag:s8], $0x0  }
0x24: {  	s3 =	sadd.s32 $0x88, s3;
	s6 =	simm.s32 @!p1 $0x1082;
	[sflag:s4] =	ssyncset.s32 $0xFFFFF086  }
0x25: {  	[simem:s6], [sflag:s4] =	dma.local [hbm:s3], $0xF7A  }
0x26: {  	[smem:$0x3F9F] =	sst s1;
	(tag) =	ssettag s2;
	_ =	strace s9  }
0x27: {  	s1 =	sld [smem:$0x3FAF]  }
0x28: {  	s2 =	sld [smem:$0x3FB0]  }
0x29: {  	s4 =	sld [smem:$0x3FB2]  }
0x2a: {  	p0 =	seq.s32 s5, $0x0;
	s5 =	sld [smem:$0x3FB3]  }
0x2b: {  	s6 =	sld [smem:$0x3FB4]  }
0x2c: {  	s7 =	sld [smem:$0x3FB5]  }
0x2d: {  	s3 =	simm.s32 $0x108;
	s8 =	sld [smem:$0x3FB6]  }
0x2e: {  	s3 =	simm.s32 @!p0 $0x1082;
	s9 =	sld [smem:$0x3FB7]  }
0x2f: {  	lr =	sadd.s32 s0, s3;
	s0 =	sld [smem:$0x3FAE]  }
0x30: {  	s3 =	sld [smem:$0x3FB1]  }
0x31: {  	[smem:$0x3FBA] =	sst s10  }
0x32: {  	s10 =	sld [smem:$0x3FB8];
	_ =	sdelay $0x3  }
0x33: {  	p0 =	seq.s32 s10, $0x1;
	s10 =	sld [smem:$0x3FBA];
	_ =	sdelay $0x3  }
0x34: {  	[smem:$0x3FBA] =	sst s10  }
0x35: {  	s10 =	sld [smem:$0x3FB9];
	_ =	sdelay $0x3  }
0x36: {  	p1 =	seq.s32 s10, $0x1;
	s10 =	sld [smem:$0x3FBA];
	_ =	sdelay $0x3  }
0x37: {  	[smem:$0x3FBA] =	sst s10  }
0x38: {  	s10 =	sld [smem:$0x3FBB]  }
0x39: {  	_ = 	snop;
	(pc) =	sbr.ind lr, $3  }
0x3a: {  	_ = 	snop  }
0x3b: {  	_ = 	snop  }
0x3c: {  	p2 =	seq.s32 s10, $0x1;
	s10 =	sld [smem:$0x3FBA]  }
0x3d: {  	_ =	shalt  }
0x3e: {  	_ =	shalt  }
0x3f: {  	_ =	shalt  }
0x40: {  	_ =	shalt  }
0x41: {  	_ =	shalt  }
0x42: {  	_ =	shalt  }
0x43: {  	_ =	shalt  }
0x44: {  	_ =	shalt  }
0x45: {  	_ =	shalt  }
0x46: {  	_ =	shalt  }
0x47: {  	_ =	shalt  }
0x48: {  	_ =	shalt  }
0x49: {  	_ =	shalt  }
0x4a: {  	_ =	shalt  }
0x4b: {  	_ =	shalt  }
0x4c: {  	_ =	shalt  }
0x4d: {  	_ =	shalt  }
0x4e: {  	_ =	shalt  }
0x4f: {  	_ =	shalt  }
0x50: {  	_ =	shalt  }
0x51: {  	_ =	shalt  }
0x52: {  	_ =	shalt  }
0x53: {  	_ =	shalt  }
0x54: {  	_ =	shalt  }
0x55: {  	_ =	shalt  }
0x56: {  	_ =	shalt  }
0x57: {  	_ =	shalt  }
0x58: {  	_ =	shalt  }
0x59: {  	_ =	shalt  }
0x5a: {  	_ =	shalt  }
0x5b: {  	_ =	shalt  }
0x5c: {  	_ =	shalt  }
0x5d: {  	_ =	shalt  }
0x5e: {  	_ =	shalt  }
0x5f: {  	_ =	shalt  }
0x60: {  	_ =	shalt  }
0x61: {  	_ =	shalt  }
0x62: {  	_ =	shalt  }
0x63: {  	_ =	shalt  }
0x64: {  	_ =	shalt  }
0x65: {  	_ =	shalt  }
0x66: {  	_ =	shalt  }
0x67: {  	_ =	shalt  }
0x68: {  	_ =	shalt  }
0x69: {  	_ =	shalt  }
0x6a: {  	_ =	shalt  }
0x6b: {  	_ =	shalt  }
0x6c: {  	_ =	shalt  }
0x6d: {  	_ =	shalt  }
0x6e: {  	_ =	shalt  }
0x6f: {  	_ =	shalt  }
0x70: {  	_ =	shalt  }
0x71: {  	_ =	shalt  }
0x72: {  	_ =	shalt  }
0x73: {  	_ =	shalt  }
0x74: {  	_ =	shalt  }
0x75: {  	_ =	shalt  }
0x76: {  	_ =	shalt  }
0x77: {  	_ =	shalt  }
0x78: {  	_ =	shalt  }
0x79: {  	_ =	shalt  }
0x7a: {  	_ =	shalt  }
0x7b: {  	_ =	shalt  }
0x7c: {  	_ =	shalt  }
0x7d: {  	_ =	shalt  }
0x7e: {  	_ =	shalt  }
0x7f: {  	_ =	shalt  }
0x80: {  	_ =	shalt  }
0x81: {  	_ =	shalt  }
0x82: {  	_ =	shalt  }
0x83: {  	_ =	shalt  }
0x84: {  	_ =	shalt  }
0x85: {  	_ =	shalt  }
0x86: {  	_ =	shalt  }
0x87: {  	_ =	shalt  }
.Lfunc_end0:
.L_simem_size_0:
called_computation_lowered:
.L_overlay_start_0:
0x88: {  	s2 =	sld [smem:$0x3FD9]  }
0x89: {  	s3 =	sld [smem:$0x3FFE];
	_ =	sdelay $0x1  }
0x8a: {  	s1 =	srdreg.scid  }
0x8b: {  	s0 =	sand.u32 $0x1, s1  }
0x8c: {  	s14 =	sshll.u32 s0, $0xA;
	s2 =	sadd.s32 s3, s2  }
0x8d: {  	s2 =	sadd.s32 s2, s14  }
0x8e: {  	[smem:$0x3FC6] =	sst s2  }
0x8f: {  	_ = 	snop  }
0x90: {  	s2 =	sld [smem:$0x3FD0];
	_ =	sdelay $0x2  }
0x91: {  	s15 =	simm.s32 $0xA;
	s4 =	simm.s32 $0x10  }
0x92: {  	[smem:s4], [sflag:s15] =	dma.local [hbm:s2], $0x1  }
0x93: {  	_ =	swait.eq [sflag:s15], $0x1  }
0x94: {  	[sflag:s15] =	ssyncset.done $0x0  }
0x95: {  	[sflag:s15] =	ssyncadd.s32 $0xFFFFFFFF  }
0x96: {  	s16 =	sld [smem:$0x10];
	(tm) =	ssettm $0x1  }
0x97: {  	s17 =	sld [smem:$0x3FFB];
	_ =	sdelay $0x3  }
0x98: {  	_ =	strace s17  }
0x99: {  	s3 =	sld [smem:$0x3FFC];
	_ =	sdelay $0x3  }
0x9a: {  	_ =	strace s3  }
0x9b: {  	s3 =	sld [smem:$0x3FFD];
	_ =	sdelay $0x3  }
0x9c: {  	_ =	strace s3  }
0x9d: {  	_ =	strace $0x8FFFFFFF  }
0x9e: {  	s18 =	sld [smem:$0x3FDB];
	_ =	sdelay $0x1  }
0x9f: {  	s19 =	simm.s32 $_scs_section_size  }
0xa0: {  	s5 =	simm.s32 $_size__tile_overlayer_lowered;
	s6 =	simm.s32 $_tile_overlayer_lowered  }
0xa1: {  	s22 =	simm.s32 $0x1BFF;
	s21 =	sshll.u32 s6, $0x1;
	s3 =	sadd.s32 s19, s18  }
0xa2: {  	s7 =	simm.s32 $0x0;
	s20 =	sshll.u32 s5, $0x1;
	s5 =	sadd.s32 s21, s3  }
0xa3: {  	[timem:s7], [sflag:s22] =	dma.local [hbm:s5], s20  }
0xa4: {  	_ =	swait.ge [sflag:s22], s20  }
0xa5: {  	s4 =	ssub.s32 $0x0, s20;
	[sflag:s22] =	ssyncset.done $0x0  }
0xa6: {  	[sflag:s22] =	ssyncadd.s32 s4;
	_ =	sdelay $0x1  }
0xa7: {  	s23 =	simm.s32 $0x1B8B  }
0xa8: {  	_ =	swait.ge [sflag:s23], $0x1  }
0xa9: {  	[sflag:s23] =	ssyncset.done $0x0  }
0xaa: {  	s25 =	simm.s32 $0x1B8E;
	s24 =	sld [smem:$0x3FFE];
	[sflag:s23] =	ssyncadd.s32 $0xFFFFFFFF  }
0xab: {  	s26 =	simm.s32 $execute0_lowered;
	[smem:$0x3FD2] =	sst s25  }
0xac: {  	s5 =	sshll.u32 s26, $0x1;
	_ =	strace $0x80000046;
	[dreg:$0x1] =	wrdreg $0xFFFFFFFF  }
0xad: {  	s28 =	simm.s32 $_size_execute0_lowered;
	s3 =	sadd.s32 s3, s5;
	[dreg:$0x0] =	wrdreg $0x0  }
0xae: {  	s5 =	sshll.u32 s28, $0x1;
	[dreg:$0x2] =	wrdreg s3  }
0xaf: {  	[dreg:$0x3] =	wrdreg s5  }
0xb0: {  	[dreg:$0x4] =	wrdreg $0xC0  }
0xb1: {  	_ =	task [dreg:s7], $0x5FFFF  }
0xb2: {  	[dreg:$0x1] =	wrdreg $0xFFFFFFFF  }
0xb3: {  	[dreg:$0x0] =	wrdreg $0x60  }
0xb4: {  	[dreg:$0x2] =	wrdreg s16  }
0xb5: {  	[dreg:$0x3] =	wrdreg s24  }
0xb6: {  	[dreg:$0x4] =	wrdreg $0x9  }
0xb7: {  	_ =	task.clear_ibuf [dreg:s7], $0x5FFFF;
	_ =	strace $0x90000046  }
0xb8: {  	s29 =	simm.s32 $0x9;
	_ =	strace $0x80000048  }
0xb9: {  	_ =	swait.ge [sflag:s29], $0x1  }
0xba: {  	[sflag:s29] =	ssyncadd.s32 $0xFFFFFFFF  }
0xbb: {  	_ =	strace $0x90000048  }
0xbc: {  	_ =	sfence  }
0xbd: {  	s30 =	sld [smem:$0x0];
	_ =	sdelay $0x2  }
0xbe: {  	s31 =	sshll.u32 s1, $0xD;
	s1 =	sshrl.u32 s1, $0x2  }
0xbf: {  	s3 =	sand.u32 $0x4000, s31;
	s1 =	sadd.s32 s1, s30  }
0xc0: {  	s0 =	sor.u32 s3, s0;
	s1 =	sshll.u32 s1, $0x11  }
0xc1: {  	s0 =	sor.u32 s1, s0  }
0xc2: {  	s0 =	sadd.s32 $0x8F2B, s0  }
0xc3: {  	[sflag:s0] =	ssyncadd.remote.s32 $0x1  }
0xc4: {  	_ =	sfence.sel $0xFFFF  }
0xc5: {  	[dreg:$0x0] =	wrdreg $0xFFFFFFFF;
	(pc) =	sbr.abs _section_cstart, $3  }
0xc6: {  	[dreg:$0x1] =	wrdreg $0xFFFFFFFF  }
0xc7: {  	_ =	task.clear_ibuf [dreg:s7], $0x2FFFF;
	_ =	strace $0x9FFFFFFF  }
0xc8: {  	(tm) =	ssettm $0x7FFFFFFF  }
0xc9: {  	_ =	shalt  }
tec
execute0_lowered:
.L_overlay_start_1:
0x0: {  	(tag) =	ssettag $0x1  }
0x1: {  	s2 =	rddreg [dreg:$0x0];
	s0 =	srdreg.scid  }
0x2: {  	s4 =	rddreg [dreg:$0x1];
	s1 =	stileid.u32  }
0x3: {  	s3 =	simm.s32 $0x0;
	s9 =	simm.s32 $0x1;
	s10 =	simm.s32 $0x2100  }
0x4: {  	s11 =	simm.s32 $0x400;
	s12 =	simm.s32 $0x0;
	s5 =	sand.u32 $0x1, s0  }
0x5: {  	s0 =	rddreg [dreg:$0x2];
	s6 =	sshll.u32 s1, $0x9;
	s7 =	sshll.u32 s5, $0x8  }
0x6: {  	s31 =	sshll.u32 s1, $0xE;
	[smem:$0x7FF] =	sst s3;
	s6 =	sor.u32 s7, s6  }
0x7: {  	_ =	strace $0x80000047;
	s5 =	ssub.s32 $0x2, s5;
	s7 =	sor.u32 s31, s6  }
0x8: {  	v0 =	vlaneseq.u32;
	s8 =	sshrl.u32 s5, $0x1;
	s6 =	sshrl.u32 s6, $0x3;
	s7 =	sand.u32 $0x38300, s7  }
0x9: {  	v0 =	vmul.u32 $0x100, v0;
	s8 =	ssub.s32 s5, s8;
	s6 =	sadd.s32 s6, s4;
	s7 =	sshrl.u32 s7, $0x3  }
0xa: {  	s7 =	sadd.s32 s7, s4;
	s4 =	sadd.s32 $0x800, s6;
	s6 =	smax.u32 s8, $0x1  }
0xb: {  	v1 =	vor.u32 $0x1000, v0;
	s8 =	simm.s32 $0x100;
	s5 =	sadd.s32 $0xC00, s7;
	s7 =	simm.s32 $0x2  }
.LBB2_1:
0xc: {  	[tilespmem:s3], [sflag:$0x2] =	stream.linear.gather [hbm4b:s4+s3], $0x100, $0x38;
	[tilespmem:$0x4100] =	vst v63  }
0xd: {  	_ =	swait.ge [sflag:s7], $0x100  }
0xe: {  	[sflag:s7] =	ssyncset.done $0x0  }
0xf: {  	[sflag:s7] =	ssyncadd.s32 $0xFFFFFF00  }
0x10: {  	v2 =	vmov s3;
	[tilespmem:s8], [sflag:$0x1] =	stream.indirect.gather [hbm4b:s2+s8], $0x20, s3, s8, $0xb8;
	[tilespmem:$0x4100] =	vst v63  }
0x11: {  	v2 =	vand.u32 $0xFC, v2;
	_ =	swait.ge [sflag:s9], $0x2000  }
0x12: {  	v2 =	vbroadcast v2, $0x0;
	[sflag:s9] =	ssyncset.done $0x0  }
0x13: {  	s13 =	simm.s32 $0x140;
	[sflag:s9] =	ssyncadd.s32 $0xFFFFE000  }
0x14: {  	v4 =	vor.u32 v0, v2;
	v3 =	vld [tilespmem:s13+$0xFFFFFFC0];
	_ =	sdelay $0x4  }
0x15: {  	[tilespmem:v4+s10+$0x0] =	vst.idx.msk $0xffff, v3  }
0x16: {  	v2 =	vor.u32 v1, v2;
	v3 =	vld [tilespmem:s13+$0xFFFFFFD0]  }
0x17: {  	s14 =	simm.s32 $0x1  }
0x18: {  	v4 =	vmov s14  }
0x19: {  	v4 =	vand.u32 $0xFD, v4  }
0x1a: {  	v4 =	vbroadcast v4, $0x0  }
0x1b: {  	[tilespmem:v2+s10+$0x0] =	vst.idx.msk $0xffff, v3  }
0x1c: {  	v3 =	vor.u32 v0, v4;
	v2 =	vld [tilespmem:s13+$0xFFFFFFE0];
	_ =	sdelay $0x4  }
0x1d: {  	[tilespmem:v3+s10+$0x0] =	vst.idx.msk $0xffff, v2  }
0x1e: {  	v3 =	vor.u32 v1, v4;
	v2 =	vld [tilespmem:s13+$0xFFFFFFF0]  }
0x1f: {  	s30 =	simm.s32 $0x2  }
0x20: {  	v4 =	vmov s30  }
0x21: {  	v4 =	vand.u32 $0xFE, v4  }
0x22: {  	v4 =	vbroadcast v4, $0x0  }
0x23: {  	[tilespmem:v3+s10+$0x0] =	vst.idx.msk $0xffff, v2  }
0x24: {  	v3 =	vor.u32 v0, v4;
	v2 =	vld [tilespmem:s13+$0x0];
	_ =	sdelay $0x4  }
0x25: {  	[tilespmem:v3+s10+$0x0] =	vst.idx.msk $0xffff, v2  }
0x26: {  	v3 =	vor.u32 v1, v4;
	v2 =	vld [tilespmem:s13+$0x10]  }
0x27: {  	s31 =	simm.s32 $0x3  }
0x28: {  	v4 =	vmov s31  }
0x29: {  	v4 =	vand.u32 $0xFF, v4  }
0x2a: {  	v4 =	vbroadcast v4, $0x0  }
0x2b: {  	[tilespmem:v3+s10+$0x0] =	vst.idx.msk $0xffff, v2  }
0x2c: {  	v3 =	vor.u32 v0, v4;
	v2 =	vld [tilespmem:s13+$0x20];
	_ =	sdelay $0x4  }
0x2d: {  	[tilespmem:v3+s10+$0x0] =	vst.idx.msk $0xffff, v2  }
0x2e: {  	v3 =	vor.u32 v1, v4;
	v2 =	vld [tilespmem:s13+$0x30]  }
0x2f: {  	s14 =	simm.s32 $0x4  }
0x30: {  	s15 =	simm.s32 $0x8;
	v4 =	vmov s14  }
.LBB2_2:
0x31: {  	p0 =	sne.s32 s15, $0xFC;
	v4 =	vand.u32 $0xFC, v4  }
0x32: {  	v4 =	vbroadcast v4, $0x0  }
0x33: {  	s13 =	sadd.s32 $0x80, s13;
	[tilespmem:v3+s10+$0x0] =	vst.idx.msk $0xffff, v2  }
0x34: {  	v2 =	vld [tilespmem:s13+$0xFFFFFFC0];
	v3 =	vor.u32 v0, v4;
	_ =	sdelay $0x4  }
0x35: {  	[tilespmem:v3+s10+$0x0] =	vst.idx.msk $0xffff, v2  }
0x36: {  	v3 =	vor.u32 v1, v4;
	v2 =	vld [tilespmem:s13+$0xFFFFFFD0]  }
0x37: {  	s16 =	sadd.s32 $0x1, s14  }
0x38: {  	v4 =	vmov s16  }
0x39: {  	v4 =	vand.u32 $0xFD, v4  }
0x3a: {  	v4 =	vbroadcast v4, $0x0  }
0x3b: {  	[tilespmem:v3+s10+$0x0] =	vst.idx.msk $0xffff, v2  }
0x3c: {  	v3 =	vor.u32 v0, v4;
	v2 =	vld [tilespmem:s13+$0xFFFFFFE0];
	_ =	sdelay $0x4  }
0x3d: {  	[tilespmem:v3+s10+$0x0] =	vst.idx.msk $0xffff, v2  }
0x3e: {  	v3 =	vor.u32 v1, v4;
	v2 =	vld [tilespmem:s13+$0xFFFFFFF0]  }
0x3f: {  	s16 =	sadd.s32 $0x2, s14  }
0x40: {  	v4 =	vmov s16  }
0x41: {  	v4 =	vand.u32 $0xFE, v4  }
0x42: {  	v4 =	vbroadcast v4, $0x0  }
0x43: {  	[tilespmem:v3+s10+$0x0] =	vst.idx.msk $0xffff, v2  }
0x44: {  	v3 =	vor.u32 v0, v4;
	v2 =	vld [tilespmem:s13+$0x0];
	_ =	sdelay $0x4  }
0x45: {  	[tilespmem:v3+s10+$0x0] =	vst.idx.msk $0xffff, v2  }
0x46: {  	v3 =	vor.u32 v1, v4;
	v2 =	vld [tilespmem:s13+$0x10]  }
0x47: {  	s16 =	sadd.s32 $0x3, s14;
	s14 =	smov.u32 s15  }
0x48: {  	v4 =	vmov s16  }
0x49: {  	v4 =	vand.u32 $0xFF, v4  }
0x4a: {  	v4 =	vbroadcast v4, $0x0  }
0x4b: {  	[tilespmem:v3+s10+$0x0] =	vst.idx.msk $0xffff, v2  }
0x4c: {  	v3 =	vor.u32 v0, v4;
	v2 =	vld [tilespmem:s13+$0x20];
	_ =	sdelay $0x3  }
.Ltmp0:
0x4d: {  	(pc) =	sbr.rel @p0 .LBB2_2-.Ltmp0, $3  }
0x4e: {  	[tilespmem:v3+s10+$0x0] =	vst.idx.msk $0xffff, v2  }
0x4f: {  	v3 =	vor.u32 v1, v4;
	v2 =	vld [tilespmem:s13+$0x30];
	_ =	sdelay $0x1  }
0x50: {  	s15 =	sadd.s32 $0x4, s15;
	v4 =	vmov s14  }
0x51: {  	_ =	sdelay $0x1  }
0x52: {  	v4 =	vand.u32 $0xFC, v4  }
0x53: {  	v4 =	vbroadcast v4, $0x0  }
0x54: {  	s13 =	sadd.s32 $0x80, s13;
	[tilespmem:v3+s10+$0x0] =	vst.idx.msk $0xffff, v2  }
0x55: {  	v2 =	vld [tilespmem:s13+$0xFFFFFFC0];
	v3 =	vor.u32 v0, v4;
	_ =	sdelay $0x4  }
0x56: {  	[tilespmem:v3+s10+$0x0] =	vst.idx.msk $0xffff, v2  }
0x57: {  	v3 =	vor.u32 v1, v4;
	v2 =	vld [tilespmem:s13+$0xFFFFFFD0]  }
0x58: {  	s15 =	sadd.s32 $0x1, s14  }
0x59: {  	v61 =	vmov s15  }
0x5a: {  	v4 =	vand.u32 $0xFD, v61  }
0x5b: {  	v4 =	vbroadcast v4, $0x0  }
0x5c: {  	[tilespmem:v3+s10+$0x0] =	vst.idx.msk $0xffff, v2  }
0x5d: {  	v3 =	vor.u32 v0, v4;
	v2 =	vld [tilespmem:s13+$0xFFFFFFE0];
	_ =	sdelay $0x4  }
0x5e: {  	[tilespmem:v3+s10+$0x0] =	vst.idx.msk $0xffff, v2  }
0x5f: {  	v3 =	vor.u32 v1, v4;
	v2 =	vld [tilespmem:s13+$0xFFFFFFF0]  }
0x60: {  	s30 =	sadd.s32 $0x2, s14  }
0x61: {  	v62 =	vmov s30  }
0x62: {  	v4 =	vand.u32 $0xFE, v62  }
0x63: {  	v4 =	vbroadcast v4, $0x0  }
0x64: {  	[tilespmem:v3+s10+$0x0] =	vst.idx.msk $0xffff, v2  }
0x65: {  	v3 =	vor.u32 v0, v4;
	v2 =	vld [tilespmem:s13+$0x0];
	_ =	sdelay $0x4  }
0x66: {  	[tilespmem:v3+s10+$0x0] =	vst.idx.msk $0xffff, v2  }
0x67: {  	v3 =	vor.u32 v1, v4;
	v2 =	vld [tilespmem:s13+$0x10]  }
0x68: {  	s31 =	sadd.s32 $0x3, s14  }
0x69: {  	v63 =	vmov s31  }
0x6a: {  	v4 =	vand.u32 $0xFF, v63  }
0x6b: {  	v4 =	vbroadcast v4, $0x0  }
0x6c: {  	[tilespmem:v3+s10+$0x0] =	vst.idx.msk $0xffff, v2  }
0x6d: {  	v3 =	vor.u32 v0, v4;
	v2 =	vld [tilespmem:s13+$0x20];
	_ =	sdelay $0x4  }
0x6e: {  	[tilespmem:v3+s10+$0x0] =	vst.idx.msk $0xffff, v2  }
0x6f: {  	v3 =	vor.u32 v1, v4;
	v2 =	vld [tilespmem:s13+$0x30];
	_ =	sdelay $0x2  }
0x70: {  	s12 =	sadd.s32 $0x1, s12  }
0x71: {  	p0 =	sne.s32 s12, s6  }
.Ltmp1:
0x72: {  	[tilespmem:v3+s10+$0x0] =	vst.idx.msk $0xffff, v2;
	(pc) =	sbr.rel @p0 .LBB2_1-.Ltmp1, $4  }
0x73: {  	[hbm4b:s5+s8] =	stream.strided.scatter [tilespmem:s10], [sflag:$0x2], $0x2000, s11, s8, $0x38;
	[tilespmem:$0x4100] =	vst v63  }
0x74: {  	_ =	swait.ge [sflag:s7], $0x2000  }
0x75: {  	[sflag:s7] =	ssyncset.done $0x0  }
0x76: {  	[sflag:s7] =	ssyncadd.s32 $0xFFFFE000  }
0x77: {  	_ =	sfence.sel $0x180000  }
0x78: {  	[bflag:$0x0] =	sbarrier.arrive $0xFFFF  }
0x79: {  	p0 =	sne.s32 s1, $0x0;
	_ =	strace $0x90000047  }
0x7a: {  	s0 =	sadd.s32 @!p0 $0x100000, s0;
	[bflag:$0x2] =	sbarrier.arrive $0xFFFF  }
0x7b: {  	[sflag:s0] =	ssyncadd.tile.s32 @!p0 $0x1;
	_ =	shalt  }
.Lfunc_end2:
_tile_overlayer_lowered:
.L_overlay_start_2:
0x7c: {  	(tag) =	ssettag $0x2  }
0x7d: {  	s0 =	rddreg [dreg:$0x0];
	s2 =	stileid.u32  }
0x7e: {  	s1 =	rddreg [dreg:$0x1];
	p0 =	sne.s32 s2, $0x0  }
0x7f: {  	s3 =	rddreg [dreg:$0x2];
	[bflag:$0x3] =	sbarrier.arrive $0xFFFF;
	s2 =	simm.s32 @!p0 $0x1C02  }
0x80: {  	[timem:s3], [sflag:s2] =	dma.local @!p0 [hbm:s0], s1  }
0x81: {  	s0 =	simm.s32 @!p0 $0x2  }
0x82: {  	_ =	swait.ge @!p0 [sflag:s0], s1  }
0x83: {  	s1 =	ssub.s32 @!p0 $0x0, s1;
	[sflag:s0] =	ssyncset.done @!p0 $0x0  }
0x84: {  	[sflag:s0] =	ssyncadd.s32 @!p0 s1  }
0x85: {  	[bflag:$0x3] =	sbarrier.arrive $0xFFFF  }
0x86: {  	_ =	shalt  }

</sc_bundles>
